<compile_context>
chip_gen: v7x
topology: tpu7x:2x2x1
jax: 0.10.2.dev20260603
libtpu: 0.0.44.dev20260713+nightly
codegen_flags: <defaults>
</compile_context>

<pallas_src>
import functools

import jax
import jax.numpy as jnp
from jax import lax
from jax.experimental import pallas as pl
from jax.experimental.pallas import tpu as pltpu
from jax.experimental.pallas import tpu_sc as plsc

_B = 16384
_D = 32
_H = 64
_N = 1000000
_NC = 2
_NS = 16
_NW = _NC * _NS
_BPW = _B // _NW
_CH = 128

_QS = 1 << 18
_RB = 16384
_NBLK = _QS // _RB
_IN_BLKS = (_N + _RB - 1) // _RB
_BLK = 4096


def _repack_body(x0_ref, x1_ref, x2_ref, x3_ref, o_ref):
    step = pl.program_id(0)
    col = (3 * _QS + step * _RB
           + jax.lax.broadcasted_iota(jnp.int32, (_D, _RB), 1))
    x3 = jnp.where(col < _N, x3_ref[...], jnp.zeros((), jnp.float32))
    x = jnp.concatenate(
        [x0_ref[...], x1_ref[...], x2_ref[...], x3], axis=0)
    xb = x.astype(jnp.bfloat16)
    row = jax.lax.broadcasted_iota(jnp.int32, (4 * _D, 4 * _D), 0)
    col = jax.lax.broadcasted_iota(jnp.int32, (4 * _D, 4 * _D), 1)
    ident = (row == col).astype(jnp.bfloat16)
    y = lax.dot_general(xb, ident, (((0,), (0,)), ((), ())),
                        preferred_element_type=jnp.float32
                        ).astype(jnp.bfloat16)
    o_ref[...] = pltpu.bitcast(y, jnp.int32)


def _make_in_spec(q):
    off = q * _NBLK

    def index_map(i):
        return (0, jnp.minimum(i + off, _IN_BLKS - 1))

    return pl.BlockSpec((_D, _RB), index_map)


def _repack(table_t):
    return pl.pallas_call(
        _repack_body,
        grid=(_NBLK,),
        in_specs=[_make_in_spec(q) for q in range(4)],
        out_specs=pl.BlockSpec((_RB // 2, 4 * _D), lambda i: (i, 0)),
        out_shape=jax.ShapeDtypeStruct((_QS // 2, 4 * _D), jnp.int32),
        compiler_params=pltpu.CompilerParams(
            dimension_semantics=("parallel",)),
    )(table_t, table_t, table_t, table_t)


def _gather_sc(z, idxm):
    mesh = plsc.VectorSubcoreMesh(core_axis_name="c", subcore_axis_name="s")

    @functools.partial(
        pl.kernel,
        mesh=mesh,
        out_type=jax.ShapeDtypeStruct((_B, 4 * _D), jnp.int32),
        scratch_types=[
            pltpu.VMEM((_BPW,), jnp.int32),
            pltpu.VMEM((_BPW, 4 * _D), jnp.int32),
            pltpu.SemaphoreType.DMA,
        ],
    )
    def gather_kernel(z_hbm, i_hbm, o_hbm, idx_v, rows_v, sem):
        wid = lax.axis_index("s") * _NC + lax.axis_index("c")
        base = wid * _BPW
        pltpu.sync_copy(i_hbm.at[pl.ds(base, _BPW)], idx_v)
        pltpu.async_copy(z_hbm.at[idx_v], rows_v, sem).wait()
        pltpu.sync_copy(rows_v, o_hbm.at[pl.ds(base, _BPW)])

    return gather_kernel(z, idxm)


def _mlp_body(ue4_ref, ie4_ref, ui_ref, ii_ref, w1u_ref, w1i_ref, b1_ref,
              w2t_ref, b2_ref, gb_ref, o_ref):
    lane_grp = jax.lax.broadcasted_iota(jnp.int32, (_BLK, 4 * _D), 1) // _D
    zero = jnp.zeros((), jnp.float32)

    def unpack_select(w_ref, idx_ref):
        w = w_ref[...]
        g = idx_ref[...] >> 18
        p = idx_ref[...] & 1
        hi = lax.bitcast_convert_type(w & jnp.int32(-65536), jnp.float32)
        lo = lax.bitcast_convert_type(w << 16, jnp.float32)
        x = jnp.where(p == 0, lo, hi)
        return jnp.where(lane_grp == g, x, zero)

    xu = unpack_select(ue4_ref, ui_ref)
    xi = unpack_select(ie4_ref, ii_ref)
    h = jnp.dot(xu, w1u_ref[...], preferred_element_type=jnp.float32)
    h = h + jnp.dot(xi, w1i_ref[...], preferred_element_type=jnp.float32)
    h = jnp.maximum(h + b1_ref[...], 0.0)
    y = lax.dot_general(w2t_ref[...], h, (((1,), (1,)), ((), ())),
                        preferred_element_type=jnp.float32)
    o_ref[...] = y + b2_ref[...] + gb_ref[...]


def _mlp(ue4, ie4, ui2, ii2, W1s_u, W1s_i, b1, W2t, b2, gb):
    out = pl.pallas_call(
        _mlp_body,
        grid=(_B // _BLK,),
        in_specs=[
            pl.BlockSpec((_BLK, 4 * _D), lambda i: (i, 0)),
            pl.BlockSpec((_BLK, 4 * _D), lambda i: (i, 0)),
            pl.BlockSpec((_BLK, 1), lambda i: (i, 0)),
            pl.BlockSpec((_BLK, 1), lambda i: (i, 0)),
            pl.BlockSpec((4 * _D, _H), lambda i: (0, 0)),
            pl.BlockSpec((4 * _D, _H), lambda i: (0, 0)),
            pl.BlockSpec((1, _H), lambda i: (0, 0)),
            pl.BlockSpec((1, _H), lambda i: (0, 0)),
            pl.BlockSpec((1, 1), lambda i: (0, 0)),
            pl.BlockSpec((1, 1), lambda i: (0, 0)),
        ],
        out_specs=pl.BlockSpec((1, _BLK), lambda i: (0, i)),
        out_shape=jax.ShapeDtypeStruct((1, _B), jnp.float32),
        compiler_params=pltpu.CompilerParams(
            dimension_semantics=("parallel",)),
    )(ue4, ie4, ui2, ii2, W1s_u, W1s_i, b1.reshape(1, _H), W2t,
      b2.reshape(1, 1), gb.reshape(1, 1))
    return out.reshape(_B)


def kernel(user_table, item_table, W1, b1, W2, b2, global_bias,
           user_indices, item_indices):
    zu = _repack(user_table.T)
    zi = _repack(item_table.T)
    ue4 = _gather_sc(zu, (user_indices & (_QS - 1)) >> 1)
    ie4 = _gather_sc(zi, (item_indices & (_QS - 1)) >> 1)
    W1s_u = jnp.concatenate([W1[:_D]] * 4, axis=0)
    W1s_i = jnp.concatenate([W1[_D:]] * 4, axis=0)
    return _mlp(ue4, ie4, user_indices.reshape(_B, 1),
                item_indices.reshape(_B, 1), W1s_u, W1s_i,
                b1, W2.reshape(1, _H), b2, global_bias)

# --- scband reference (transcript-rebuilt; emitter-appended) ---
"""Pipeline reference for scband-neural-rec-sys-29901562315151 (READ-ONLY COPY).

The authoritative reference and input builder live on the scoring server;
editing this copy changes nothing except your own understanding.
"""

import jax, jax.numpy as jnp
import numpy as np

B = 16384
N_USERS = 1000000
N_ITEMS = 1000000
D = 32
H = 64


def setup_inputs(seed: int = 0) -> dict:
    key = jax.random.key(seed)
    ks = jax.random.split(key, 8)
    user_indices = jax.random.randint(ks[0], (B,), 0, N_USERS, dtype=jnp.int64 if jax.config.jax_enable_x64 else jnp.int32).astype(jnp.int32)
    item_indices = jax.random.randint(ks[1], (B,), 0, N_ITEMS, dtype=jnp.int32)
    user_table = jax.random.normal(ks[2], (N_USERS, D), dtype=jnp.float32)
    item_table = jax.random.normal(ks[3], (N_ITEMS, D), dtype=jnp.float32)
    W1 = jax.random.normal(ks[4], (2 * D, H), dtype=jnp.float32) * 0.05
    b1 = jnp.zeros((H,), dtype=jnp.float32)
    W2 = jax.random.normal(ks[5], (H, 1), dtype=jnp.float32) * 0.05
    b2 = jnp.zeros((1,), dtype=jnp.float32)
    global_bias = jnp.array(0.0, dtype=jnp.float32)
    return {
        "user_table": user_table,
        "item_table": item_table,
        "W1": W1,
        "b1": b1,
        "W2": W2,
        "b2": b2,
        "global_bias": global_bias,
        "user_indices": user_indices,
        "item_indices": item_indices,
    }


def reference(user_table, item_table, W1, b1, W2, b2, global_bias, user_indices, item_indices):
    user_emb = jnp.take(user_table, user_indices, axis=0)
    item_emb = jnp.take(item_table, item_indices, axis=0)
    x = jnp.concatenate([user_emb, item_emb], axis=1)
    x = jax.nn.relu(jnp.dot(x, W1) + b1)
    x = (jnp.dot(x, W2) + b2).squeeze()
    return x + global_bias

if __name__ == "__main__":
    import jax
    _d = setup_inputs()
    print(jax.jit(kernel)(*tuple(_d.values())))

</pallas_src>

<mosaic_0001>
#map = affine_map<(d0, d1) -> (0, 0)>
#map1 = affine_map<(d0, d1) -> (0)>
module attributes {stable_mosaic.version = 14 : i64} {
  func.func @gather_kernel(%arg0: i32, %arg1: i32, %arg2: memref<131072x128xi32, #tpu.memory_space<hbm>>, %arg3: memref<16384xi32, #tpu.memory_space<hbm>>, %arg4: memref<16384x128xi32, #tpu.memory_space<hbm>>, %arg5: memref<512xi32, #tpu.memory_space<vmem>>, %arg6: memref<512x128xi32, #tpu.memory_space<vmem>>, %arg7: memref<!tpu.dma_semaphore, #tpu.memory_space<semaphore_mem>>) attributes {dimension_semantics = [#tpu.dimension_semantics<core_parallel>, #tpu.dimension_semantics<subcore_parallel>], iteration_bounds = array<i64: 2, 16>, scalar_prefetch = 0 : i64, scratch_operands = 3 : i64, tpu.core_type = #tpu.core_type<sc_vector_subcore>, window_params = [{transform_indices = #map}, {transform_indices = #map1}, {transform_indices = #map}]} {
    %mul3A = arith.constant 2 : i32
    %mul3A_0 = arith.muli %arg1, %mul3A : i32
    %add3A = arith.addi %mul3A_0, %arg0 : i32
    %mul3A_1 = arith.constant 512 : i32
    %mul3A_2 = arith.muli %add3A, %mul3A_1 : i32
    "tpu.region"() ({
      %run_scoped3A = tpu.sem_alloc : memref<!tpu.dma_semaphore, #tpu.memory_space<semaphore_mem>>
      %dma_start3A_7 = tpu.memref_slice %arg3[%mul3A_2] : memref<16384xi32, #tpu.memory_space<hbm>> -> memref<512xi32, #tpu.memory_space<hbm>>
      %dma_start3A_8 = tpu.memref_slice %arg3[%mul3A_2] : memref<16384xi32, #tpu.memory_space<hbm>> -> memref<512xi32, #tpu.memory_space<hbm>>
      tpu.enqueue_dma source(%dma_start3A_8 : memref<512xi32, #tpu.memory_space<hbm>>) target(%arg5 : memref<512xi32, #tpu.memory_space<vmem>>) target_semaphore(%run_scoped3A : memref<!tpu.dma_semaphore, #tpu.memory_space<semaphore_mem>>)
      %dma_wait3A_9 = tpu.memref_slice %arg3[%mul3A_2] : memref<16384xi32, #tpu.memory_space<hbm>> -> memref<512xi32, #tpu.memory_space<hbm>>
      %dma_wait3A_10 = tpu.memref_slice %arg3[%mul3A_2] : memref<16384xi32, #tpu.memory_space<hbm>> -> memref<512xi32, #tpu.memory_space<hbm>>
      tpu.wait_dma2 semaphore(%run_scoped3A : memref<!tpu.dma_semaphore, #tpu.memory_space<semaphore_mem>>) src(%dma_wait3A_10 : memref<512xi32, #tpu.memory_space<hbm>>) dst(%arg5 : memref<512xi32, #tpu.memory_space<vmem>>)
      tpu.yield
    }) : () -> ()
    %dma_start3A = arith.constant 0 : i32
    %dma_start3A_3 = arith.constant 0 : i32
    %dma_start3A_4 = tpu.memref_slice %arg2[%dma_start3A, %dma_start3A_3] : memref<131072x128xi32, #tpu.memory_space<hbm>> -> memref<131072x128xi32, #tpu.memory_space<hbm>>
    tpu.enqueue_indirect_dma source(%dma_start3A_4 : memref<131072x128xi32, #tpu.memory_space<hbm>>) target(%arg6 : memref<512x128xi32, #tpu.memory_space<vmem>>) offsets(%arg5 : memref<512xi32, #tpu.memory_space<vmem>>) semaphore(%arg7 : memref<!tpu.dma_semaphore, #tpu.memory_space<semaphore_mem>>)
    %dma_wait3A = arith.constant 0 : i32
    %dma_wait3A_5 = arith.constant 0 : i32
    %dma_wait3A_6 = tpu.memref_slice %arg2[%dma_wait3A, %dma_wait3A_5] : memref<131072x128xi32, #tpu.memory_space<hbm>> -> memref<131072x128xi32, #tpu.memory_space<hbm>>
    tpu.wait_indirect_dma semaphore(%arg7 : memref<!tpu.dma_semaphore, #tpu.memory_space<semaphore_mem>>) src(%dma_wait3A_6 : memref<131072x128xi32, #tpu.memory_space<hbm>>) dst(%arg6 : memref<512x128xi32, #tpu.memory_space<vmem>>)
    "tpu.region"() ({
      %run_scoped3A = tpu.sem_alloc : memref<!tpu.dma_semaphore, #tpu.memory_space<semaphore_mem>>
      %dma_start3A_7 = arith.constant 0 : i32
      %dma_start3A_8 = tpu.memref_slice %arg4[%mul3A_2, %dma_start3A_7] : memref<16384x128xi32, #tpu.memory_space<hbm>> -> memref<512x128xi32, #tpu.memory_space<hbm>>
      %dma_start3A_9 = arith.constant 0 : i32
      %dma_start3A_10 = tpu.memref_slice %arg4[%mul3A_2, %dma_start3A_9] : memref<16384x128xi32, #tpu.memory_space<hbm>> -> memref<512x128xi32, #tpu.memory_space<hbm>>
      tpu.enqueue_dma source(%arg6 : memref<512x128xi32, #tpu.memory_space<vmem>>) target(%dma_start3A_10 : memref<512x128xi32, #tpu.memory_space<hbm>>) target_semaphore(%run_scoped3A : memref<!tpu.dma_semaphore, #tpu.memory_space<semaphore_mem>>)
      %dma_wait3A_11 = arith.constant 0 : i32
      %dma_wait3A_12 = tpu.memref_slice %arg4[%mul3A_2, %dma_wait3A_11] : memref<16384x128xi32, #tpu.memory_space<hbm>> -> memref<512x128xi32, #tpu.memory_space<hbm>>
      %dma_wait3A_13 = arith.constant 0 : i32
      %dma_wait3A_14 = tpu.memref_slice %arg4[%mul3A_2, %dma_wait3A_13] : memref<16384x128xi32, #tpu.memory_space<hbm>> -> memref<512x128xi32, #tpu.memory_space<hbm>>
      tpu.wait_dma2 semaphore(%run_scoped3A : memref<!tpu.dma_semaphore, #tpu.memory_space<semaphore_mem>>) src(%arg6 : memref<512x128xi32, #tpu.memory_space<vmem>>) dst(%dma_wait3A_14 : memref<512x128xi32, #tpu.memory_space<hbm>>)
      tpu.yield
    }) : () -> ()
    return
  }
}

#map = affine_map<(d0, d1) -> (0, 0)>
#map1 = affine_map<(d0, d1) -> (0)>
module attributes {stable_mosaic.version = 14 : i64} {
  func.func @gather_kernel(%arg0: i32, %arg1: i32, %arg2: memref<131072x128xi32, #tpu.memory_space<hbm>>, %arg3: memref<16384xi32, #tpu.memory_space<hbm>>, %arg4: memref<16384x128xi32, #tpu.memory_space<hbm>>, %arg5: memref<512xi32, #tpu.memory_space<vmem>>, %arg6: memref<512x128xi32, #tpu.memory_space<vmem>>, %arg7: memref<!tpu.dma_semaphore, #tpu.memory_space<semaphore_mem>>) attributes {dimension_semantics = [#tpu.dimension_semantics<core_parallel>, #tpu.dimension_semantics<subcore_parallel>], iteration_bounds = array<i64: 2, 16>, scalar_prefetch = 0 : i64, scratch_operands = 3 : i64, tpu.core_type = #tpu.core_type<sc_vector_subcore>, window_params = [{transform_indices = #map}, {transform_indices = #map1}, {transform_indices = #map}]} {
    %mul3A = arith.constant 2 : i32
    %mul3A_0 = arith.muli %arg1, %mul3A : i32
    %add3A = arith.addi %mul3A_0, %arg0 : i32
    %mul3A_1 = arith.constant 512 : i32
    %mul3A_2 = arith.muli %add3A, %mul3A_1 : i32
    "tpu.region"() ({
      %run_scoped3A = tpu.sem_alloc : memref<!tpu.dma_semaphore, #tpu.memory_space<semaphore_mem>>
      %dma_start3A_7 = tpu.memref_slice %arg3[%mul3A_2] : memref<16384xi32, #tpu.memory_space<hbm>> -> memref<512xi32, #tpu.memory_space<hbm>>
      %dma_start3A_8 = tpu.memref_slice %arg3[%mul3A_2] : memref<16384xi32, #tpu.memory_space<hbm>> -> memref<512xi32, #tpu.memory_space<hbm>>
      tpu.enqueue_dma source(%dma_start3A_8 : memref<512xi32, #tpu.memory_space<hbm>>) target(%arg5 : memref<512xi32, #tpu.memory_space<vmem>>) target_semaphore(%run_scoped3A : memref<!tpu.dma_semaphore, #tpu.memory_space<semaphore_mem>>)
      %dma_wait3A_9 = tpu.memref_slice %arg3[%mul3A_2] : memref<16384xi32, #tpu.memory_space<hbm>> -> memref<512xi32, #tpu.memory_space<hbm>>
      %dma_wait3A_10 = tpu.memref_slice %arg3[%mul3A_2] : memref<16384xi32, #tpu.memory_space<hbm>> -> memref<512xi32, #tpu.memory_space<hbm>>
      tpu.wait_dma2 semaphore(%run_scoped3A : memref<!tpu.dma_semaphore, #tpu.memory_space<semaphore_mem>>) src(%dma_wait3A_10 : memref<512xi32, #tpu.memory_space<hbm>>) dst(%arg5 : memref<512xi32, #tpu.memory_space<vmem>>)
      tpu.yield
    }) : () -> ()
    %dma_start3A = arith.constant 0 : i32
    %dma_start3A_3 = arith.constant 0 : i32
    %dma_start3A_4 = tpu.memref_slice %arg2[%dma_start3A, %dma_start3A_3] : memref<131072x128xi32, #tpu.memory_space<hbm>> -> memref<131072x128xi32, #tpu.memory_space<hbm>>
    tpu.enqueue_indirect_dma source(%dma_start3A_4 : memref<131072x128xi32, #tpu.memory_space<hbm>>) target(%arg6 : memref<512x128xi32, #tpu.memory_space<vmem>>) offsets(%arg5 : memref<512xi32, #tpu.memory_space<vmem>>) semaphore(%arg7 : memref<!tpu.dma_semaphore, #tpu.memory_space<semaphore_mem>>)
    %dma_wait3A = arith.constant 0 : i32
    %dma_wait3A_5 = arith.constant 0 : i32
    %dma_wait3A_6 = tpu.memref_slice %arg2[%dma_wait3A, %dma_wait3A_5] : memref<131072x128xi32, #tpu.memory_space<hbm>> -> memref<131072x128xi32, #tpu.memory_space<hbm>>
    tpu.wait_indirect_dma semaphore(%arg7 : memref<!tpu.dma_semaphore, #tpu.memory_space<semaphore_mem>>) src(%dma_wait3A_6 : memref<131072x128xi32, #tpu.memory_space<hbm>>) dst(%arg6 : memref<512x128xi32, #tpu.memory_space<vmem>>)
    "tpu.region"() ({
      %run_scoped3A = tpu.sem_alloc : memref<!tpu.dma_semaphore, #tpu.memory_space<semaphore_mem>>
      %dma_start3A_7 = arith.constant 0 : i32
      %dma_start3A_8 = tpu.memref_slice %arg4[%mul3A_2, %dma_start3A_7] : memref<16384x128xi32, #tpu.memory_space<hbm>> -> memref<512x128xi32, #tpu.memory_space<hbm>>
      %dma_start3A_9 = arith.constant 0 : i32
      %dma_start3A_10 = tpu.memref_slice %arg4[%mul3A_2, %dma_start3A_9] : memref<16384x128xi32, #tpu.memory_space<hbm>> -> memref<512x128xi32, #tpu.memory_space<hbm>>
      tpu.enqueue_dma source(%arg6 : memref<512x128xi32, #tpu.memory_space<vmem>>) target(%dma_start3A_10 : memref<512x128xi32, #tpu.memory_space<hbm>>) target_semaphore(%run_scoped3A : memref<!tpu.dma_semaphore, #tpu.memory_space<semaphore_mem>>)
      %dma_wait3A_11 = arith.constant 0 : i32
      %dma_wait3A_12 = tpu.memref_slice %arg4[%mul3A_2, %dma_wait3A_11] : memref<16384x128xi32, #tpu.memory_space<hbm>> -> memref<512x128xi32, #tpu.memory_space<hbm>>
      %dma_wait3A_13 = arith.constant 0 : i32
      %dma_wait3A_14 = tpu.memref_slice %arg4[%mul3A_2, %dma_wait3A_13] : memref<16384x128xi32, #tpu.memory_space<hbm>> -> memref<512x128xi32, #tpu.memory_space<hbm>>
      tpu.wait_dma2 semaphore(%run_scoped3A : memref<!tpu.dma_semaphore, #tpu.memory_space<semaphore_mem>>) src(%arg6 : memref<512x128xi32, #tpu.memory_space<vmem>>) dst(%dma_wait3A_14 : memref<512x128xi32, #tpu.memory_space<hbm>>)
      tpu.yield
    }) : () -> ()
    return
  }
}

module attributes {stable_mosaic.version = 14 : i64} {
  func.func @_repack_body(%arg0: i32, %arg1: memref<32x16384xf32, #tpu.memory_space<vmem>>, %arg2: memref<32x16384xf32, #tpu.memory_space<vmem>>, %arg3: memref<32x16384xf32, #tpu.memory_space<vmem>>, %arg4: memref<32x16384xf32, #tpu.memory_space<vmem>>, %arg5: memref<8192x128xi32, #tpu.memory_space<vmem>>) attributes {dimension_semantics = [#tpu.dimension_semantics<parallel>], iteration_bounds = array<i64: 16>, scalar_prefetch = 0 : i64, scratch_operands = 0 : i64, tpu.core_type = #tpu.core_type<tc>, window_params = [{transform_indices = @transform_0, window_bounds = array<i64: 32, 16384>}, {transform_indices = @transform_1, window_bounds = array<i64: 32, 16384>}, {transform_indices = @transform_2, window_bounds = array<i64: 32, 16384>}, {transform_indices = @transform_3, window_bounds = array<i64: 32, 16384>}, {transform_indices = @transform_4, window_bounds = array<i64: 8192, 128>}]} {
    %mul3A = arith.constant 16384 : i32
    %mul3A_0 = arith.muli %arg0, %mul3A : i32
    %add3A = arith.constant 786432 : i32
    %add3A_1 = arith.addi %add3A, %mul3A_0 : i32
    %iota3A = tpu.iota {dimensions = array<i32: 1>} : vector<32x16384xi32>
    %add3A_2 = vector.broadcast %add3A_1 : i32 to vector<32x16384xi32>
    %add3A_3 = arith.addi %add3A_2, %iota3A : vector<32x16384xi32>
    %lt3A = arith.constant 1000000 : i32
    %lt3A_4 = vector.broadcast %lt3A : i32 to vector<32x16384xi32>
    %lt3A_5 = arith.cmpi slt, %add3A_3, %lt3A_4 : vector<32x16384xi32>
    %get3A = arith.constant 0 : index
    %get3A_6 = arith.constant 0 : index
    %get3A_7 = vector.load %arg4[%get3A, %get3A_6] : memref<32x16384xf32, #tpu.memory_space<vmem>>, vector<32x16384xf32>
    %jit3A = arith.constant 0.000000e+00 : f32
    %broadcast_in_dim3A = vector.broadcast %jit3A : f32 to vector<32x16384xf32>
    %select_n3A = arith.select %lt3A_5, %get3A_7, %broadcast_in_dim3A : vector<32x16384xi1>, vector<32x16384xf32>
    %get3A_8 = arith.constant 0 : index
    %get3A_9 = arith.constant 0 : index
    %get3A_10 = vector.load %arg1[%get3A_8, %get3A_9] : memref<32x16384xf32, #tpu.memory_space<vmem>>, vector<32x16384xf32>
    %get3A_11 = arith.constant 0 : index
    %get3A_12 = arith.constant 0 : index
    %get3A_13 = vector.load %arg2[%get3A_11, %get3A_12] : memref<32x16384xf32, #tpu.memory_space<vmem>>, vector<32x16384xf32>
    %get3A_14 = arith.constant 0 : index
    %get3A_15 = arith.constant 0 : index
    %get3A_16 = vector.load %arg3[%get3A_14, %get3A_15] : memref<32x16384xf32, #tpu.memory_space<vmem>>, vector<32x16384xf32>
    %concatenate3A = tpu.concatenate %get3A_10, %get3A_13, %get3A_16, %select_n3A in 0 : vector<32x16384xf32>, vector<32x16384xf32>, vector<32x16384xf32>, vector<32x16384xf32> -> vector<128x16384xf32>
    %convert_element_type3A = arith.truncf %concatenate3A : vector<128x16384xf32> to vector<128x16384xbf16>
    %iota3A_17 = tpu.iota {dimensions = array<i32: 0>} : vector<128x128xi32>
    %iota3A_18 = tpu.iota {dimensions = array<i32: 1>} : vector<128x128xi32>
    %eq3A = arith.cmpi eq, %iota3A_17, %iota3A_18 : vector<128x128xi32>
    %convert_element_type3A_19 = arith.extui %eq3A : vector<128x128xi1> to vector<128x128xi32>
    %convert_element_type3A_20 = arith.sitofp %convert_element_type3A_19 : vector<128x128xi32> to vector<128x128xf32>
    %convert_element_type3A_21 = arith.truncf %convert_element_type3A_20 : vector<128x128xf32> to vector<128x128xbf16>
    %dot_general3A = arith.constant dense<0.000000e+00> : vector<16384x128xf32>
    %dot_general3A_22 = tpu.matmul %convert_element_type3A, %convert_element_type3A_21, %dot_general3A {dimension_numbers = #tpu.dot_dimension_numbers<[0], [0], [1], [1], [0, 1, 1, 1], [], []>, transpose_lhs_hint = false} : vector<128x16384xbf16>, vector<128x128xbf16>, vector<16384x128xf32> -> vector<16384x128xf32>
    %convert_element_type3A_23 = arith.truncf %dot_general3A_22 : vector<16384x128xf32> to vector<16384x128xbf16>
    %bitcast3A = tpu.bitcast %convert_element_type3A_23 : vector<16384x128xbf16> -> vector<8192x128xi32>
    %swap3A = arith.constant 0 : index
    %swap3A_24 = arith.constant 0 : index
    %swap3A_25 = vector.load %arg5[%swap3A, %swap3A_24] : memref<8192x128xi32, #tpu.memory_space<vmem>>, vector<8192x128xi32>
    tpu.vector_store %arg5[%swap3A, %swap3A_24], %bitcast3A {strides = array<i32>} : memref<8192x128xi32, #tpu.memory_space<vmem>>, vector<8192x128xi32>,
    return
  }
  func.func @transform_0(%arg0: i32) -> (i32, i32) {
    %add3A = arith.constant 0 : i32
    %add3A_0 = arith.addi %arg0, %add3A : i32
    %min3A = arith.constant 61 : i32
    %min3A_1 = arith.minsi %add3A_0, %min3A : i32
    %c0_i32 = arith.constant 0 : i32
    %c0_i32_2 = arith.constant 0 : i32
    return %c0_i32, %min3A_1 : i32, i32
  }
  func.func @transform_1(%arg0: i32) -> (i32, i32) {
    %add3A = arith.constant 16 : i32
    %add3A_0 = arith.addi %arg0, %add3A : i32
    %min3A = arith.constant 61 : i32
    %min3A_1 = arith.minsi %add3A_0, %min3A : i32
    %c0_i32 = arith.constant 0 : i32
    %c0_i32_2 = arith.constant 0 : i32
    return %c0_i32, %min3A_1 : i32, i32
  }
  func.func @transform_2(%arg0: i32) -> (i32, i32) {
    %add3A = arith.constant 32 : i32
    %add3A_0 = arith.addi %arg0, %add3A : i32
    %min3A = arith.constant 61 : i32
    %min3A_1 = arith.minsi %add3A_0, %min3A : i32
    %c0_i32 = arith.constant 0 : i32
    %c0_i32_2 = arith.constant 0 : i32
    return %c0_i32, %min3A_1 : i32, i32
  }
  func.func @transform_3(%arg0: i32) -> (i32, i32) {
    %add3A = arith.constant 48 : i32
    %add3A_0 = arith.addi %arg0, %add3A : i32
    %min3A = arith.constant 61 : i32
    %min3A_1 = arith.minsi %add3A_0, %min3A : i32
    %c0_i32 = arith.constant 0 : i32
    %c0_i32_2 = arith.constant 0 : i32
    return %c0_i32, %min3A_1 : i32, i32
  }
  func.func @transform_4(%arg0: i32) -> (i32, i32) {
    %c0_i32 = arith.constant 0 : i32
    %c0_i32_0 = arith.constant 0 : i32
    return %arg0, %c0_i32 : i32, i32
  }
}

module attributes {stable_mosaic.version = 14 : i64} {
  func.func @_mlp_body(%arg0: i32, %arg1: memref<4096x128xi32, #tpu.memory_space<vmem>>, %arg2: memref<4096x128xi32, #tpu.memory_space<vmem>>, %arg3: memref<4096x1xi32, #tpu.memory_space<vmem>>, %arg4: memref<4096x1xi32, #tpu.memory_space<vmem>>, %arg5: memref<128x64xf32, #tpu.memory_space<vmem>>, %arg6: memref<128x64xf32, #tpu.memory_space<vmem>>, %arg7: memref<1x64xf32, #tpu.memory_space<vmem>>, %arg8: memref<1x64xf32, #tpu.memory_space<vmem>>, %arg9: memref<1x1xf32, #tpu.memory_space<vmem>>, %arg10: memref<1x1xf32, #tpu.memory_space<vmem>>, %arg11: memref<1x4096xf32, #tpu.memory_space<vmem>>) attributes {dimension_semantics = [#tpu.dimension_semantics<parallel>], iteration_bounds = array<i64: 4>, scalar_prefetch = 0 : i64, scratch_operands = 0 : i64, tpu.core_type = #tpu.core_type<tc>, window_params = [{transform_indices = @transform_0, window_bounds = array<i64: 4096, 128>}, {transform_indices = @transform_1, window_bounds = array<i64: 4096, 128>}, {transform_indices = @transform_2, window_bounds = array<i64: 4096, 1>}, {transform_indices = @transform_3, window_bounds = array<i64: 4096, 1>}, {pipeline_mode = #tpu.pipeline_mode<synchronous>, transform_indices = @transform_4, window_bounds = array<i64: 128, 64>}, {pipeline_mode = #tpu.pipeline_mode<synchronous>, transform_indices = @transform_5, window_bounds = array<i64: 128, 64>}, {pipeline_mode = #tpu.pipeline_mode<synchronous>, transform_indices = @transform_6, window_bounds = array<i64: 1, 64>}, {pipeline_mode = #tpu.pipeline_mode<synchronous>, transform_indices = @transform_7, window_bounds = array<i64: 1, 64>}, {pipeline_mode = #tpu.pipeline_mode<synchronous>, transform_indices = @transform_8, window_bounds = array<i64: 1, 1>}, {pipeline_mode = #tpu.pipeline_mode<synchronous>, transform_indices = @transform_9, window_bounds = array<i64: 1, 1>}, {transform_indices = @transform_10, window_bounds = array<i64: 1, 4096>}]} {
    %iota3A = tpu.iota {dimensions = array<i32: 1>} : vector<4096x128xi32>
    %jit3A = arith.constant 32 : i32
    %div3A = vector.broadcast %jit3A : i32 to vector<4096x128xi32>
    %div3A_0 = arith.divsi %iota3A, %div3A : vector<4096x128xi32>
    %sign3A = arith.constant 0 : i32
    %sign3A_1 = vector.broadcast %sign3A : i32 to vector<4096x128xi32>
    %sign3A_2 = arith.cmpi sgt, %iota3A, %sign3A_1 : vector<4096x128xi32>
    %sign3A_3 = arith.extui %sign3A_2 : vector<4096x128xi1> to vector<4096x128xi32>
    %sign3A_4 = arith.constant 0 : i32
    %sign3A_5 = vector.broadcast %sign3A_4 : i32 to vector<4096x128xi32>
    %sign3A_6 = arith.cmpi slt, %iota3A, %sign3A_5 : vector<4096x128xi32>
    %sign3A_7 = arith.extui %sign3A_6 : vector<4096x128xi1> to vector<4096x128xi32>
    %sign3A_8 = arith.subi %sign3A_3, %sign3A_7 : vector<4096x128xi32>
    %sign3A_9 = arith.constant 0 : i32
    %sign3A_10 = arith.cmpi sgt, %jit3A, %sign3A_9 : i32
    %sign3A_11 = arith.extui %sign3A_10 : i1 to i32
    %sign3A_12 = arith.constant 0 : i32
    %sign3A_13 = arith.cmpi slt, %jit3A, %sign3A_12 : i32
    %sign3A_14 = arith.extui %sign3A_13 : i1 to i32
    %sign3A_15 = arith.subi %sign3A_11, %sign3A_14 : i32
    %ne3A = vector.broadcast %sign3A_15 : i32 to vector<4096x128xi32>
    %ne3A_16 = arith.cmpi ne, %sign3A_8, %ne3A : vector<4096x128xi32>
    %rem3A = vector.broadcast %jit3A : i32 to vector<4096x128xi32>
    %rem3A_17 = arith.remsi %iota3A, %rem3A : vector<4096x128xi32>
    %ne3A_18 = arith.constant 0 : i32
    %ne3A_19 = vector.broadcast %ne3A_18 : i32 to vector<4096x128xi32>
    %ne3A_20 = arith.cmpi ne, %rem3A_17, %ne3A_19 : vector<4096x128xi32>
    %and3A = arith.andi %ne3A_16, %ne3A_20 : vector<4096x128xi1>
    %sub3A = arith.constant 1 : i32
    %sub3A_21 = vector.broadcast %sub3A : i32 to vector<4096x128xi32>
    %sub3A_22 = arith.subi %div3A_0, %sub3A_21 : vector<4096x128xi32>
    %select_n3A = arith.select %and3A, %sub3A_22, %div3A_0 : vector<4096x128xi1>, vector<4096x128xi32>
    %get3A = arith.constant 0 : index
    %get3A_23 = arith.constant 0 : index
    %get3A_24 = vector.load %arg1[%get3A, %get3A_23] : memref<4096x128xi32, #tpu.memory_space<vmem>>, vector<4096x128xi32>
    %get3A_25 = arith.constant 0 : index
    %get3A_26 = arith.constant 0 : index
    %get3A_27 = vector.load %arg3[%get3A_25, %get3A_26] : memref<4096x1xi32, #tpu.memory_space<vmem>>, vector<4096x1xi32>
    %shift_right_arithmetic3A = arith.constant 18 : i32
    %shift_right_arithmetic3A_28 = vector.broadcast %shift_right_arithmetic3A : i32 to vector<4096x1xi32>
    %shift_right_arithmetic3A_29 = arith.shrsi %get3A_27, %shift_right_arithmetic3A_28 : vector<4096x1xi32>
    %get3A_30 = arith.constant 0 : index
    %get3A_31 = arith.constant 0 : index
    %get3A_32 = vector.load %arg3[%get3A_30, %get3A_31] : memref<4096x1xi32, #tpu.memory_space<vmem>>, vector<4096x1xi32>
    %and3A_33 = arith.constant 1 : i32
    %and3A_34 = vector.broadcast %and3A_33 : i32 to vector<4096x1xi32>
    %and3A_35 = arith.andi %get3A_32, %and3A_34 : vector<4096x1xi32>
    %and3A_36 = arith.constant -65536 : i32
    %and3A_37 = vector.broadcast %and3A_36 : i32 to vector<4096x128xi32>
    %and3A_38 = arith.andi %get3A_24, %and3A_37 : vector<4096x128xi32>
    %bitcast_convert_type3A = tpu.bitcast %and3A_38 : vector<4096x128xi32> -> vector<4096x128xf32>
    %shift_left3A = arith.constant 16 : i32
    %shift_left3A_39 = vector.broadcast %shift_left3A : i32 to vector<4096x128xi32>
    %shift_left3A_40 = arith.shli %get3A_24, %shift_left3A_39 : vector<4096x128xi32>
    %bitcast_convert_type3A_41 = tpu.bitcast %shift_left3A_40 : vector<4096x128xi32> -> vector<4096x128xf32>
    %eq3A = arith.constant 0 : i32
    %eq3A_42 = vector.broadcast %eq3A : i32 to vector<4096x1xi32>
    %eq3A_43 = arith.cmpi eq, %and3A_35, %eq3A_42 : vector<4096x1xi32>
    %broadcast_in_dim3A = vector.shape_cast %eq3A_43 : vector<4096x1xi1> to vector<4096x1xi1>
    %broadcast_in_dim3A_44 = vector.broadcast %broadcast_in_dim3A : vector<4096x1xi1> to vector<4096x128xi1>
    %select_n3A_45 = arith.select %broadcast_in_dim3A_44, %bitcast_convert_type3A_41, %bitcast_convert_type3A : vector<4096x128xi1>, vector<4096x128xf32>
    %eq3A_46 = vector.broadcast %shift_right_arithmetic3A_29 : vector<4096x1xi32> to vector<4096x128xi32>
    %eq3A_47 = arith.cmpi eq, %select_n3A, %eq3A_46 : vector<4096x128xi32>
    %jit3A_48 = arith.constant 0.000000e+00 : f32
    %broadcast_in_dim3A_49 = vector.broadcast %jit3A_48 : f32 to vector<4096x128xf32>
    %select_n3A_50 = arith.select %eq3A_47, %select_n3A_45, %broadcast_in_dim3A_49 : vector<4096x128xi1>, vector<4096x128xf32>
    %get3A_51 = arith.constant 0 : index
    %get3A_52 = arith.constant 0 : index
    %get3A_53 = vector.load %arg2[%get3A_51, %get3A_52] : memref<4096x128xi32, #tpu.memory_space<vmem>>, vector<4096x128xi32>
    %get3A_54 = arith.constant 0 : index
    %get3A_55 = arith.constant 0 : index
    %get3A_56 = vector.load %arg4[%get3A_54, %get3A_55] : memref<4096x1xi32, #tpu.memory_space<vmem>>, vector<4096x1xi32>
    %shift_right_arithmetic3A_57 = arith.constant 18 : i32
    %shift_right_arithmetic3A_58 = vector.broadcast %shift_right_arithmetic3A_57 : i32 to vector<4096x1xi32>
    %shift_right_arithmetic3A_59 = arith.shrsi %get3A_56, %shift_right_arithmetic3A_58 : vector<4096x1xi32>
    %get3A_60 = arith.constant 0 : index
    %get3A_61 = arith.constant 0 : index
    %get3A_62 = vector.load %arg4[%get3A_60, %get3A_61] : memref<4096x1xi32, #tpu.memory_space<vmem>>, vector<4096x1xi32>
    %and3A_63 = arith.constant 1 : i32
    %and3A_64 = vector.broadcast %and3A_63 : i32 to vector<4096x1xi32>
    %and3A_65 = arith.andi %get3A_62, %and3A_64 : vector<4096x1xi32>
    %and3A_66 = arith.constant -65536 : i32
    %and3A_67 = vector.broadcast %and3A_66 : i32 to vector<4096x128xi32>
    %and3A_68 = arith.andi %get3A_53, %and3A_67 : vector<4096x128xi32>
    %bitcast_convert_type3A_69 = tpu.bitcast %and3A_68 : vector<4096x128xi32> -> vector<4096x128xf32>
    %shift_left3A_70 = arith.constant 16 : i32
    %shift_left3A_71 = vector.broadcast %shift_left3A_70 : i32 to vector<4096x128xi32>
    %shift_left3A_72 = arith.shli %get3A_53, %shift_left3A_71 : vector<4096x128xi32>
    %bitcast_convert_type3A_73 = tpu.bitcast %shift_left3A_72 : vector<4096x128xi32> -> vector<4096x128xf32>
    %eq3A_74 = arith.constant 0 : i32
    %eq3A_75 = vector.broadcast %eq3A_74 : i32 to vector<4096x1xi32>
    %eq3A_76 = arith.cmpi eq, %and3A_65, %eq3A_75 : vector<4096x1xi32>
    %broadcast_in_dim3A_77 = vector.shape_cast %eq3A_76 : vector<4096x1xi1> to vector<4096x1xi1>
    %broadcast_in_dim3A_78 = vector.broadcast %broadcast_in_dim3A_77 : vector<4096x1xi1> to vector<4096x128xi1>
    %select_n3A_79 = arith.select %broadcast_in_dim3A_78, %bitcast_convert_type3A_73, %bitcast_convert_type3A_69 : vector<4096x128xi1>, vector<4096x128xf32>
    %eq3A_80 = vector.broadcast %shift_right_arithmetic3A_59 : vector<4096x1xi32> to vector<4096x128xi32>
    %eq3A_81 = arith.cmpi eq, %select_n3A, %eq3A_80 : vector<4096x128xi32>
    %jit3A_82 = arith.constant 0.000000e+00 : f32
    %broadcast_in_dim3A_83 = vector.broadcast %jit3A_82 : f32 to vector<4096x128xf32>
    %select_n3A_84 = arith.select %eq3A_81, %select_n3A_79, %broadcast_in_dim3A_83 : vector<4096x128xi1>, vector<4096x128xf32>
    %get3A_85 = arith.constant 0 : index
    %get3A_86 = arith.constant 0 : index
    %get3A_87 = vector.load %arg5[%get3A_85, %get3A_86] : memref<128x64xf32, #tpu.memory_space<vmem>>, vector<128x64xf32>
    %dot_general3A = arith.constant dense<0.000000e+00> : vector<4096x64xf32>
    %dot_general3A_88 = tpu.matmul %select_n3A_50, %get3A_87, %dot_general3A {dimension_numbers = #tpu.dot_dimension_numbers<[1], [0], [0], [1], [0, 0, 1, 1], [], []>, transpose_lhs_hint = false} : vector<4096x128xf32>, vector<128x64xf32>, vector<4096x64xf32> -> vector<4096x64xf32>
    %get3A_89 = arith.constant 0 : index
    %get3A_90 = arith.constant 0 : index
    %get3A_91 = vector.load %arg6[%get3A_89, %get3A_90] : memref<128x64xf32, #tpu.memory_space<vmem>>, vector<128x64xf32>
    %dot_general3A_92 = arith.constant dense<0.000000e+00> : vector<4096x64xf32>
    %dot_general3A_93 = tpu.matmul %select_n3A_84, %get3A_91, %dot_general3A_92 {dimension_numbers = #tpu.dot_dimension_numbers<[1], [0], [0], [1], [0, 0, 1, 1], [], []>, transpose_lhs_hint = false} : vector<4096x128xf32>, vector<128x64xf32>, vector<4096x64xf32> -> vector<4096x64xf32>
    %add3A = arith.addf %dot_general3A_88, %dot_general3A_93 : vector<4096x64xf32>
    %get3A_94 = arith.constant 0 : index
    %get3A_95 = arith.constant 0 : index
    %get3A_96 = vector.load %arg7[%get3A_94, %get3A_95] : memref<1x64xf32, #tpu.memory_space<vmem>>, vector<1x64xf32>
    %add3A_97 = vector.broadcast %get3A_96 : vector<1x64xf32> to vector<4096x64xf32>
    %add3A_98 = arith.addf %add3A, %add3A_97 : vector<4096x64xf32>
    %max3A = arith.constant 0.000000e+00 : f32
    %max3A_99 = vector.broadcast %max3A : f32 to vector<4096x64xf32>
    %max3A_100 = arith.maximumf %add3A_98, %max3A_99 : vector<4096x64xf32>
    %get3A_101 = arith.constant 0 : index
    %get3A_102 = arith.constant 0 : index
    %get3A_103 = vector.load %arg8[%get3A_101, %get3A_102] : memref<1x64xf32, #tpu.memory_space<vmem>>, vector<1x64xf32>
    %dot_general3A_104 = arith.constant dense<0.000000e+00> : vector<1x4096xf32>
    %dot_general3A_105 = tpu.matmul %get3A_103, %max3A_100, %dot_general3A_104 {dimension_numbers = #tpu.dot_dimension_numbers<[1], [1], [0], [0], [0, 0, 1, 0], [], []>, transpose_lhs_hint = false} : vector<1x64xf32>, vector<4096x64xf32>, vector<1x4096xf32> -> vector<1x4096xf32>
    %get3A_106 = arith.constant 0 : index
    %get3A_107 = arith.constant 0 : index
    %get3A_108 = vector.load %arg9[%get3A_106, %get3A_107] : memref<1x1xf32, #tpu.memory_space<vmem>>, vector<1x1xf32>
    %add3A_109 = vector.broadcast %get3A_108 : vector<1x1xf32> to vector<1x4096xf32>
    %add3A_110 = arith.addf %dot_general3A_105, %add3A_109 : vector<1x4096xf32>
    %get3A_111 = arith.constant 0 : index
    %get3A_112 = arith.constant 0 : index
    %get3A_113 = vector.load %arg10[%get3A_111, %get3A_112] : memref<1x1xf32, #tpu.memory_space<vmem>>, vector<1x1xf32>
    %add3A_114 = vector.broadcast %get3A_113 : vector<1x1xf32> to vector<1x4096xf32>
    %add3A_115 = arith.addf %add3A_110, %add3A_114 : vector<1x4096xf32>
    %swap3A = arith.constant 0 : index
    %swap3A_116 = arith.constant 0 : index
    %swap3A_117 = vector.load %arg11[%swap3A, %swap3A_116] : memref<1x4096xf32, #tpu.memory_space<vmem>>, vector<1x4096xf32>
    tpu.vector_store %arg11[%swap3A, %swap3A_116], %add3A_115 {strides = array<i32>} : memref<1x4096xf32, #tpu.memory_space<vmem>>, vector<1x4096xf32>,
    return
  }
  func.func @transform_0(%arg0: i32) -> (i32, i32) {
    %c0_i32 = arith.constant 0 : i32
    %c0_i32_0 = arith.constant 0 : i32
    return %arg0, %c0_i32 : i32, i32
  }
  func.func @transform_1(%arg0: i32) -> (i32, i32) {
    %c0_i32 = arith.constant 0 : i32
    %c0_i32_0 = arith.constant 0 : i32
    return %arg0, %c0_i32 : i32, i32
  }
  func.func @transform_2(%arg0: i32) -> (i32, i32) {
    %c0_i32 = arith.constant 0 : i32
    %c0_i32_0 = arith.constant 0 : i32
    return %arg0, %c0_i32 : i32, i32
  }
  func.func @transform_3(%arg0: i32) -> (i32, i32) {
    %c0_i32 = arith.constant 0 : i32
    %c0_i32_0 = arith.constant 0 : i32
    return %arg0, %c0_i32 : i32, i32
  }
  func.func @transform_4(%arg0: i32) -> (i32, i32) {
    %c0_i32 = arith.constant 0 : i32
    %c0_i32_0 = arith.constant 0 : i32
    %c0_i32_1 = arith.constant 0 : i32
    return %c0_i32, %c0_i32_0 : i32, i32
  }
  func.func @transform_5(%arg0: i32) -> (i32, i32) {
    %c0_i32 = arith.constant 0 : i32
    %c0_i32_0 = arith.constant 0 : i32
    %c0_i32_1 = arith.constant 0 : i32
    return %c0_i32, %c0_i32_0 : i32, i32
  }
  func.func @transform_6(%arg0: i32) -> (i32, i32) {
    %c0_i32 = arith.constant 0 : i32
    %c0_i32_0 = arith.constant 0 : i32
    %c0_i32_1 = arith.constant 0 : i32
    return %c0_i32, %c0_i32_0 : i32, i32
  }
  func.func @transform_7(%arg0: i32) -> (i32, i32) {
    %c0_i32 = arith.constant 0 : i32
    %c0_i32_0 = arith.constant 0 : i32
    %c0_i32_1 = arith.constant 0 : i32
    return %c0_i32, %c0_i32_0 : i32, i32
  }
  func.func @transform_8(%arg0: i32) -> (i32, i32) {
    %c0_i32 = arith.constant 0 : i32
    %c0_i32_0 = arith.constant 0 : i32
    %c0_i32_1 = arith.constant 0 : i32
    return %c0_i32, %c0_i32_0 : i32, i32
  }
  func.func @transform_9(%arg0: i32) -> (i32, i32) {
    %c0_i32 = arith.constant 0 : i32
    %c0_i32_0 = arith.constant 0 : i32
    %c0_i32_1 = arith.constant 0 : i32
    return %c0_i32, %c0_i32_0 : i32, i32
  }
  func.func @transform_10(%arg0: i32) -> (i32, i32) {
    %c0_i32 = arith.constant 0 : i32
    %c0_i32_0 = arith.constant 0 : i32
    return %c0_i32, %arg0 : i32, i32
  }
}

</mosaic_0001>

<sc_bundles>
// kernel: kernel.10.cloned.1.call-start
scs
__scs_entry_jumppad:
0x0: {  	(pc) =	sbr.rel $0x88, $3  }
0x1: {  	(tag) =	ssettag $0x0;
	lr =	simm.s32 $0x1  }
0x2: {  	[smem:$0x3F98] =	sst lr;
	_ =	strace $0xD0000000  }
0x3: {  	_ = 	snop  }
0x4: {  	_ = 	snop  }
0x5: {  	_ = 	snop  }
0x6: {  	_ = 	snop  }
0x7: {  	_ = 	snop  }
__scs_overlays_trampoline_lowered:
0x8: {  	[smem:$0x3FA7] =	sst s0  }
0x9: {  	[smem:$0x3FA8] =	sst s1  }
0xa: {  	[smem:$0x3FA9] =	sst s2  }
0xb: {  	[smem:$0x3FAA] =	sst s3  }
0xc: {  	[smem:$0x3FAB] =	sst s4  }
0xd: {  	[smem:$0x3FAC] =	sst s5  }
0xe: {  	[smem:$0x3FAD] =	sst s6  }
0xf: {  	[smem:$0x3FAE] =	sst s7  }
0x10: {  	[smem:$0x3FAF] =	sst s8  }
0x11: {  	[smem:$0x3FB0] =	sst s9;
	s0 =	simm.s32 @!p0 $0x0  }
0x12: {  	s1 =	sld [smem:$0x3F96];
	s0 =	simm.s32 @p0 $0x1  }
0x13: {  	[smem:$0x3FB1] =	sst s0;
	s0 =	simm.s32 @!p1 $0x0  }
0x14: {  	s2 =	sld [smem:$0x3F95];
	s0 =	simm.s32 @p1 $0x1  }
0x15: {  	[smem:$0x3FB2] =	sst s0;
	s0 =	simm.s32 @!p2 $0x0  }
0x16: {  	s3 =	sld [smem:$0x3FDB];
	s0 =	simm.s32 @p2 $0x1  }
0x17: {  	s4 =	simm.s32 $0x1BF5;
	[smem:$0x3FB4] =	sst s0  }
0x18: {  	s0 =	sld [smem:$0x3F97];
	_ =	swait.ge [sflag:s4], $0x0  }
0x19: {  	s7 =	sld [smem:$0x3F98]  }
0x1a: {  	s8 =	sadd.s32 $0xFFFFE003, lr  }
0x1b: {  	s9 =	sadd.s32 $0xFFFFFEF7, lr;
	s5 =	simm.s32 $0xFFFFFFFF;
	p2 =	slt.u32 s8, $0xFFFFF086  }
0x1c: {  	p1 =	slt.u32 s9, $0xF7A;
	s5 =	simm.s32 @!p2 $0x0  }
0x1d: {  	s5 =	simm.s32 @p1 $0x1;
	p0 =	seq.s32 s7, s2  }
0x1e: {  	s7 =	smul.u32 @!p0 $0xF7A, s2;
	p2 =	seq.s32 @!p0 s5, $0x0  }
0x1f: {  	s9 =	smul.u32 $0xF7A, s1;
	s8 =	simm.s32 @!p0 $0x1BF5;
	p2 =	por !p2, p0  }
0x20: {  	[sflag:s8] =	ssyncset.s32 @!p0 $0xFFFFF086;
	s6 =	sadd.s32 @!p0 s3, s7;
	s7 =	simm.s32 @!p0 $0x108  }
0x21: {  	s3 =	sadd.s32 s3, s9;
	s6 =	sadd.s32 @!p0 $0x88, s6;
	s7 =	simm.s32 @p2 $0x1082  }
0x22: {  	[simem:s7], [sflag:s8] =	dma.local @!p0 [hbm:s6], $0xF7A  }
0x23: {  	s9 =	sor.u32 $0xD0000000, s2;
	s6 =	simm.s32 $0x108;
	_ =	swait.ge @!p0 [sflag:s8], $0x0  }
0x24: {  	s3 =	sadd.s32 $0x88, s3;
	s6 =	simm.s32 @!p1 $0x1082;
	[sflag:s4] =	ssyncset.s32 $0xFFFFF086  }
0x25: {  	[simem:s6], [sflag:s4] =	dma.local [hbm:s3], $0xF7A  }
0x26: {  	[smem:$0x3F98] =	sst s1;
	(tag) =	ssettag s2;
	_ =	strace s9  }
0x27: {  	s1 =	sld [smem:$0x3FA8]  }
0x28: {  	s2 =	sld [smem:$0x3FA9]  }
0x29: {  	s4 =	sld [smem:$0x3FAB]  }
0x2a: {  	p0 =	seq.s32 s5, $0x0;
	s5 =	sld [smem:$0x3FAC]  }
0x2b: {  	s6 =	sld [smem:$0x3FAD]  }
0x2c: {  	s7 =	sld [smem:$0x3FAE]  }
0x2d: {  	s3 =	simm.s32 $0x108;
	s8 =	sld [smem:$0x3FAF]  }
0x2e: {  	s3 =	simm.s32 @!p0 $0x1082;
	s9 =	sld [smem:$0x3FB0]  }
0x2f: {  	lr =	sadd.s32 s0, s3;
	s0 =	sld [smem:$0x3FA7]  }
0x30: {  	s3 =	sld [smem:$0x3FAA]  }
0x31: {  	[smem:$0x3FB3] =	sst s10  }
0x32: {  	s10 =	sld [smem:$0x3FB1];
	_ =	sdelay $0x3  }
0x33: {  	p0 =	seq.s32 s10, $0x1;
	s10 =	sld [smem:$0x3FB3];
	_ =	sdelay $0x3  }
0x34: {  	[smem:$0x3FB3] =	sst s10  }
0x35: {  	s10 =	sld [smem:$0x3FB2];
	_ =	sdelay $0x3  }
0x36: {  	p1 =	seq.s32 s10, $0x1;
	s10 =	sld [smem:$0x3FB3];
	_ =	sdelay $0x3  }
0x37: {  	[smem:$0x3FB3] =	sst s10  }
0x38: {  	s10 =	sld [smem:$0x3FB4]  }
0x39: {  	_ = 	snop;
	(pc) =	sbr.ind lr, $3  }
0x3a: {  	_ = 	snop  }
0x3b: {  	_ = 	snop  }
0x3c: {  	p2 =	seq.s32 s10, $0x1;
	s10 =	sld [smem:$0x3FB3]  }
0x3d: {  	_ =	shalt  }
0x3e: {  	_ =	shalt  }
0x3f: {  	_ =	shalt  }
0x40: {  	_ =	shalt  }
0x41: {  	_ =	shalt  }
0x42: {  	_ =	shalt  }
0x43: {  	_ =	shalt  }
0x44: {  	_ =	shalt  }
0x45: {  	_ =	shalt  }
0x46: {  	_ =	shalt  }
0x47: {  	_ =	shalt  }
0x48: {  	_ =	shalt  }
0x49: {  	_ =	shalt  }
0x4a: {  	_ =	shalt  }
0x4b: {  	_ =	shalt  }
0x4c: {  	_ =	shalt  }
0x4d: {  	_ =	shalt  }
0x4e: {  	_ =	shalt  }
0x4f: {  	_ =	shalt  }
0x50: {  	_ =	shalt  }
0x51: {  	_ =	shalt  }
0x52: {  	_ =	shalt  }
0x53: {  	_ =	shalt  }
0x54: {  	_ =	shalt  }
0x55: {  	_ =	shalt  }
0x56: {  	_ =	shalt  }
0x57: {  	_ =	shalt  }
0x58: {  	_ =	shalt  }
0x59: {  	_ =	shalt  }
0x5a: {  	_ =	shalt  }
0x5b: {  	_ =	shalt  }
0x5c: {  	_ =	shalt  }
0x5d: {  	_ =	shalt  }
0x5e: {  	_ =	shalt  }
0x5f: {  	_ =	shalt  }
0x60: {  	_ =	shalt  }
0x61: {  	_ =	shalt  }
0x62: {  	_ =	shalt  }
0x63: {  	_ =	shalt  }
0x64: {  	_ =	shalt  }
0x65: {  	_ =	shalt  }
0x66: {  	_ =	shalt  }
0x67: {  	_ =	shalt  }
0x68: {  	_ =	shalt  }
0x69: {  	_ =	shalt  }
0x6a: {  	_ =	shalt  }
0x6b: {  	_ =	shalt  }
0x6c: {  	_ =	shalt  }
0x6d: {  	_ =	shalt  }
0x6e: {  	_ =	shalt  }
0x6f: {  	_ =	shalt  }
0x70: {  	_ =	shalt  }
0x71: {  	_ =	shalt  }
0x72: {  	_ =	shalt  }
0x73: {  	_ =	shalt  }
0x74: {  	_ =	shalt  }
0x75: {  	_ =	shalt  }
0x76: {  	_ =	shalt  }
0x77: {  	_ =	shalt  }
0x78: {  	_ =	shalt  }
0x79: {  	_ =	shalt  }
0x7a: {  	_ =	shalt  }
0x7b: {  	_ =	shalt  }
0x7c: {  	_ =	shalt  }
0x7d: {  	_ =	shalt  }
0x7e: {  	_ =	shalt  }
0x7f: {  	_ =	shalt  }
0x80: {  	_ =	shalt  }
0x81: {  	_ =	shalt  }
0x82: {  	_ =	shalt  }
0x83: {  	_ =	shalt  }
0x84: {  	_ =	shalt  }
0x85: {  	_ =	shalt  }
0x86: {  	_ =	shalt  }
0x87: {  	_ =	shalt  }
.Lfunc_end0:
.L_simem_size_0:
called_computation.1_lowered:
.L_overlay_start_0:
0x88: {  	s2 =	sld [smem:$0x3FD9]  }
0x89: {  	s3 =	sld [smem:$0x3FFE];
	_ =	sdelay $0x1  }
0x8a: {  	s1 =	srdreg.scid  }
0x8b: {  	s0 =	sand.u32 $0x1, s1  }
0x8c: {  	s17 =	sshll.u32 s0, $0xA;
	s2 =	sadd.s32 s3, s2  }
0x8d: {  	s2 =	sadd.s32 s2, s17  }
0x8e: {  	[smem:$0x3FBF] =	sst s2  }
0x8f: {  	_ = 	snop  }
0x90: {  	(tm) =	ssettm $0x1  }
0x91: {  	s18 =	sld [smem:$0x3FFB];
	_ =	sdelay $0x3  }
0x92: {  	_ =	strace s18  }
0x93: {  	s2 =	sld [smem:$0x3FFC];
	_ =	sdelay $0x3  }
0x94: {  	_ =	strace s2  }
0x95: {  	s2 =	sld [smem:$0x3FFD];
	_ =	sdelay $0x3  }
0x96: {  	_ =	strace s2  }
0x97: {  	_ =	strace $0x8FFFFFFF  }
0x98: {  	s19 =	sld [smem:$0x3FDB];
	_ =	sdelay $0x1  }
0x99: {  	s20 =	simm.s32 $_scs_section_size  }
0x9a: {  	s4 =	simm.s32 $_size__tile_overlayer_lowered;
	s5 =	simm.s32 $_tile_overlayer_lowered  }
0x9b: {  	s6 =	simm.s32 $0x1BFF;
	s21 =	sshll.u32 s5, $0x1;
	s3 =	sadd.s32 s20, s19  }
0x9c: {  	s22 =	simm.s32 $0x0;
	s4 =	sshll.u32 s4, $0x1;
	s5 =	sadd.s32 s21, s3  }
0x9d: {  	[timem:s22], [sflag:s6] =	dma.local [hbm:s5], s4  }
0x9e: {  	_ =	swait.ge [sflag:s6], s4  }
0x9f: {  	s4 =	ssub.s32 $0x0, s4;
	[sflag:s6] =	ssyncset.done $0x0  }
0xa0: {  	[sflag:s6] =	ssyncadd.s32 s4;
	_ =	sdelay $0x1  }
0xa1: {  	s23 =	simm.s32 $0x1B8B  }
0xa2: {  	_ =	swait.ge [sflag:s23], $0x1  }
0xa3: {  	[sflag:s23] =	ssyncset.done $0x0  }
0xa4: {  	[sflag:s23] =	ssyncadd.s32 $0xFFFFFFFF  }
0xa5: {  	s4 =	sld [smem:$0x0]  }
0xa6: {  	s5 =	sand.u32 $0xFFFFFFFE, s1  }
0xa7: {  	p0 =	sne.s32 s1, s5  }
0xa8: {  	s5 =	sshll.u32 @p0 s5, $0xE  }
0xa9: {  	s5 =	sadd.s32 @p0 $0x11B8D, s5;
	s6 =	sshll.u32 @p0 s4, $0x11  }
0xaa: {  	s5 =	sor.u32 @p0 s6, s5  }
0xab: {  	[sflag:s5] =	ssyncadd.remote.s32 @p0 $0x1;
	_ =	sdelay $0x1  }
0xac: {  	s5 =	simm.s32 @p0 $0x1B8D  }
0xad: {  	_ =	swait.eq @p0 [sflag:s5], $0x1  }
0xae: {  	[sflag:s5] =	ssyncadd.s32 @p0 $0xFFFFFFFF  }
0xaf: {  	s6 =	sshll.u32 @!p0 s1, $0xE  }
0xb0: {  	s6 =	sor.u32 @!p0 $0x4000, s6;
	s5 =	simm.s32 @!p0 $0x1B8D  }
0xb1: {  	s4 =	sshll.u32 @!p0 s4, $0x11;
	s6 =	sadd.s32 @!p0 $0x11B8D, s6;
	_ =	swait.eq @!p0 [sflag:s5], $0x1  }
0xb2: {  	s4 =	sor.u32 @!p0 s4, s6;
	[sflag:s5] =	ssyncadd.s32 @!p0 $0xFFFFFFFF  }
0xb3: {  	s25 =	simm.s32 $0x1B8E;
	s24 =	sld [smem:$0x3FFE];
	[sflag:s4] =	ssyncadd.remote.s32 @!p0 $0x1  }
0xb4: {  	s26 =	simm.s32 $execute0_lowered;
	[smem:$0x3FD2] =	sst s25  }
0xb5: {  	s5 =	sshll.u32 s26, $0x1;
	_ =	strace $0x80000049;
	[dreg:$0x1] =	wrdreg $0xFFFFFFFF  }
0xb6: {  	s28 =	simm.s32 $_size_execute0_lowered;
	s3 =	sadd.s32 s3, s5;
	[dreg:$0x0] =	wrdreg $0x0  }
0xb7: {  	s5 =	sshll.u32 s28, $0x1;
	[dreg:$0x2] =	wrdreg s3  }
0xb8: {  	[dreg:$0x3] =	wrdreg s5  }
0xb9: {  	[dreg:$0x4] =	wrdreg $0xC0  }
0xba: {  	_ =	task [dreg:s22], $0x5FFFF  }
0xbb: {  	[dreg:$0x1] =	wrdreg $0xFFFFFFFF  }
0xbc: {  	[dreg:$0x0] =	wrdreg $0x60  }
0xbd: {  	[dreg:$0x2] =	wrdreg s24  }
0xbe: {  	[dreg:$0x3] =	wrdreg $0xA  }
0xbf: {  	_ =	task.clear_ibuf [dreg:s22], $0x4FFFF;
	_ =	strace $0x90000049  }
0xc0: {  	s29 =	simm.s32 $0xA;
	_ =	strace $0x8000004B  }
0xc1: {  	_ =	swait.ge [sflag:s29], $0x1  }
0xc2: {  	[sflag:s29] =	ssyncadd.s32 $0xFFFFFFFF  }
0xc3: {  	_ =	strace $0x9000004B  }
0xc4: {  	_ =	sfence  }
0xc5: {  	s30 =	sld [smem:$0x0];
	_ =	sdelay $0x2  }
0xc6: {  	s31 =	sshll.u32 s1, $0xD;
	s1 =	sshrl.u32 s1, $0x2  }
0xc7: {  	s4 =	sand.u32 $0x4000, s31;
	s1 =	sadd.s32 s1, s30  }
0xc8: {  	s0 =	sor.u32 s4, s0;
	s1 =	sshll.u32 s1, $0x11  }
0xc9: {  	s0 =	sor.u32 s1, s0  }
0xca: {  	s0 =	sadd.s32 $0x8F2B, s0  }
0xcb: {  	[sflag:s0] =	ssyncadd.remote.s32 $0x1  }
0xcc: {  	_ =	sfence.sel $0xFFFF  }
0xcd: {  	[dreg:$0x0] =	wrdreg $0xFFFFFFFF;
	(pc) =	sbr.abs _section_cstart, $3  }
0xce: {  	[dreg:$0x1] =	wrdreg $0xFFFFFFFF  }
0xcf: {  	_ =	task.clear_ibuf [dreg:s22], $0x2FFFF;
	_ =	strace $0x9FFFFFFF  }
0xd0: {  	(tm) =	ssettm $0x7FFFFFFF  }
0xd1: {  	_ =	shalt  }
tec
execute0_lowered:
.L_overlay_start_1:
0x0: {  	(tag) =	ssettag $0x1  }
0x1: {  	s1 =	srdreg.scid  }
0x2: {  	s0 =	stileid.u32;
	s6 =	sand.u32 $0x1, s1  }
0x3: {  	s8 =	rddreg [dreg:$0x0];
	s30 =	sshll.u32 s0, $0xA;
	s2 =	sshll.u32 s6, $0x9  }
0x4: {  	s7 =	simm.s32 $0x1;
	s1 =	rddreg [dreg:$0x1];
	s9 =	sor.u32 s2, s30  }
0x5: {  	s5 =	sadd.s32 $0x241C00, s8;
	s2 =	simm.s32 $0x0;
	s3 =	sshrl.u32 s9, $0x3  }
0x6: {  	s10 =	ssub.s32 $0x2, s6;
	[smem:$0x7FF] =	sst s2;
	s3 =	sadd.s32 s3, s8  }
0x7: {  	_ =	strace $0x8000004A;
	s4 =	sadd.s32 $0x441C00, s3;
	s3 =	simm.s32 $0x2  }
0x8: {  	[tilespmem:s2], [sflag:$0x2] =	stream.linear.gather [hbm4b:s4+s2], $0x200, $0x38;
	[tilespmem:$0x10200] =	vst v63  }
0x9: {  	s6 =	simm.s32 $0x200;
	s11 =	sshrl.u32 s10, $0x1;
	_ =	swait.ge [sflag:s3], $0x200  }
0xa: {  	s9 =	sshll.u32 s9, $0x4;
	s31 =	ssub.s32 s10, s11;
	[sflag:s3] =	ssyncset.done $0x0  }
0xb: {  	s8 =	sadd.s32 s9, s8;
	s9 =	smax.u32 s31, $0x1;
	[sflag:s3] =	ssyncadd.s32 $0xFFFFFE00  }
0xc: {  	[tilespmem:s6], [sflag:$0x1] =	stream.indirect.gather [hbm4b:s5+s6], $0x80, s2, s6, $0xb8;
	[tilespmem:$0x10200] =	vst v63  }
0xd: {  	p0 =	sne.s32 s9, $0x1;
	_ =	swait.ge [sflag:s7], $0x10000  }
.Ltmp0:
0xe: {  	[sflag:s7] =	ssyncset.done $0x0;
	(pc) =	sbr.rel @!p0 .LBB2_2-.Ltmp0, $4  }
0xf: {  	s8 =	sadd.s32 $0x442400, s8;
	[sflag:s7] =	ssyncadd.s32 $0xFFFF0000  }
0x10: {  	[hbm4b:s8+s2] =	stream.linear.scatter [tilespmem:s6], [sflag:$0x2], $0x10000, $0x38;
	[tilespmem:$0x10200] =	vst v63  }
0x11: {  	_ =	swait.ge [sflag:s3], $0x10000  }
0x12: {  	s9 =	sadd.s32 $0xFFFFFFFF, s9;
	[sflag:s3] =	ssyncset.done $0x0  }
.LBB2_1:
0x13: {  	p0 =	sne.s32 s9, $0x1;
	s9 =	sadd.s32 $0xFFFFFFFF, s9;
	[sflag:s3] =	ssyncadd.s32 $0xFFFF0000  }
0x14: {  	[tilespmem:s2], [sflag:$0x2] =	stream.linear.gather [hbm4b:s4+s2], $0x200, $0x38;
	[tilespmem:$0x10200] =	vst v63  }
0x15: {  	_ =	swait.ge [sflag:s3], $0x200  }
0x16: {  	[sflag:s3] =	ssyncset.done $0x0  }
0x17: {  	[sflag:s3] =	ssyncadd.s32 $0xFFFFFE00  }
0x18: {  	[tilespmem:s6], [sflag:$0x1] =	stream.indirect.gather [hbm4b:s5+s6], $0x80, s2, s6, $0xb8;
	[tilespmem:$0x10200] =	vst v63  }
0x19: {  	_ =	swait.ge [sflag:s7], $0x10000  }
.Ltmp1:
0x1a: {  	[sflag:s7] =	ssyncset.done $0x0;
	(pc) =	sbr.rel @p0 .LBB2_1-.Ltmp1, $4  }
0x1b: {  	[sflag:s7] =	ssyncadd.s32 $0xFFFF0000  }
0x1c: {  	[hbm4b:s8+s2] =	stream.linear.scatter [tilespmem:s6], [sflag:$0x2], $0x10000, $0x38;
	[tilespmem:$0x10200] =	vst v63  }
0x1d: {  	_ =	swait.ge [sflag:s3], $0x10000  }
0x1e: {  	[sflag:s3] =	ssyncset.done $0x0  }
.LBB2_2:
0x1f: {  	[sflag:s3] =	ssyncadd.s32 $0xFFFF0000  }
0x20: {  	_ =	sfence.sel $0x180000  }
0x21: {  	[bflag:$0x0] =	sbarrier.arrive $0xFFFF  }
0x22: {  	p0 =	sne.s32 s0, $0x0;
	_ =	strace $0x9000004A  }
0x23: {  	s0 =	sadd.s32 @!p0 $0x100000, s1;
	[bflag:$0x2] =	sbarrier.arrive $0xFFFF  }
0x24: {  	[sflag:s0] =	ssyncadd.tile.s32 @!p0 $0x1;
	_ =	shalt  }
.Lfunc_end2:
_tile_overlayer_lowered:
.L_overlay_start_2:
0x25: {  	(tag) =	ssettag $0x2  }
0x26: {  	s0 =	rddreg [dreg:$0x0];
	s2 =	stileid.u32  }
0x27: {  	s1 =	rddreg [dreg:$0x1];
	p0 =	sne.s32 s2, $0x0  }
0x28: {  	s3 =	rddreg [dreg:$0x2];
	[bflag:$0x3] =	sbarrier.arrive $0xFFFF;
	s2 =	simm.s32 @!p0 $0x1C02  }
0x29: {  	[timem:s3], [sflag:s2] =	dma.local @!p0 [hbm:s0], s1  }
0x2a: {  	s0 =	simm.s32 @!p0 $0x2  }
0x2b: {  	_ =	swait.ge @!p0 [sflag:s0], s1  }
0x2c: {  	s1 =	ssub.s32 @!p0 $0x0, s1;
	[sflag:s0] =	ssyncset.done @!p0 $0x0  }
0x2d: {  	[sflag:s0] =	ssyncadd.s32 @!p0 s1  }
0x2e: {  	[bflag:$0x3] =	sbarrier.arrive $0xFFFF  }
0x2f: {  	_ =	shalt  }

// kernel: kernel.7.cloned.1.call-start
scs
__scs_entry_jumppad:
0x0: {  	(pc) =	sbr.rel $0x88, $3  }
0x1: {  	(tag) =	ssettag $0x0;
	lr =	simm.s32 $0x1  }
0x2: {  	[smem:$0x3F98] =	sst lr;
	_ =	strace $0xD0000000  }
0x3: {  	_ = 	snop  }
0x4: {  	_ = 	snop  }
0x5: {  	_ = 	snop  }
0x6: {  	_ = 	snop  }
0x7: {  	_ = 	snop  }
__scs_overlays_trampoline_lowered:
0x8: {  	[smem:$0x3FA7] =	sst s0  }
0x9: {  	[smem:$0x3FA8] =	sst s1  }
0xa: {  	[smem:$0x3FA9] =	sst s2  }
0xb: {  	[smem:$0x3FAA] =	sst s3  }
0xc: {  	[smem:$0x3FAB] =	sst s4  }
0xd: {  	[smem:$0x3FAC] =	sst s5  }
0xe: {  	[smem:$0x3FAD] =	sst s6  }
0xf: {  	[smem:$0x3FAE] =	sst s7  }
0x10: {  	[smem:$0x3FAF] =	sst s8  }
0x11: {  	[smem:$0x3FB0] =	sst s9;
	s0 =	simm.s32 @!p0 $0x0  }
0x12: {  	s1 =	sld [smem:$0x3F96];
	s0 =	simm.s32 @p0 $0x1  }
0x13: {  	[smem:$0x3FB1] =	sst s0;
	s0 =	simm.s32 @!p1 $0x0  }
0x14: {  	s2 =	sld [smem:$0x3F95];
	s0 =	simm.s32 @p1 $0x1  }
0x15: {  	[smem:$0x3FB2] =	sst s0;
	s0 =	simm.s32 @!p2 $0x0  }
0x16: {  	s3 =	sld [smem:$0x3FDB];
	s0 =	simm.s32 @p2 $0x1  }
0x17: {  	s4 =	simm.s32 $0x1BF5;
	[smem:$0x3FB4] =	sst s0  }
0x18: {  	s0 =	sld [smem:$0x3F97];
	_ =	swait.ge [sflag:s4], $0x0  }
0x19: {  	s7 =	sld [smem:$0x3F98]  }
0x1a: {  	s8 =	sadd.s32 $0xFFFFE003, lr  }
0x1b: {  	s9 =	sadd.s32 $0xFFFFFEF7, lr;
	s5 =	simm.s32 $0xFFFFFFFF;
	p2 =	slt.u32 s8, $0xFFFFF086  }
0x1c: {  	p1 =	slt.u32 s9, $0xF7A;
	s5 =	simm.s32 @!p2 $0x0  }
0x1d: {  	s5 =	simm.s32 @p1 $0x1;
	p0 =	seq.s32 s7, s2  }
0x1e: {  	s7 =	smul.u32 @!p0 $0xF7A, s2;
	p2 =	seq.s32 @!p0 s5, $0x0  }
0x1f: {  	s9 =	smul.u32 $0xF7A, s1;
	s8 =	simm.s32 @!p0 $0x1BF5;
	p2 =	por !p2, p0  }
0x20: {  	[sflag:s8] =	ssyncset.s32 @!p0 $0xFFFFF086;
	s6 =	sadd.s32 @!p0 s3, s7;
	s7 =	simm.s32 @!p0 $0x108  }
0x21: {  	s3 =	sadd.s32 s3, s9;
	s6 =	sadd.s32 @!p0 $0x88, s6;
	s7 =	simm.s32 @p2 $0x1082  }
0x22: {  	[simem:s7], [sflag:s8] =	dma.local @!p0 [hbm:s6], $0xF7A  }
0x23: {  	s9 =	sor.u32 $0xD0000000, s2;
	s6 =	simm.s32 $0x108;
	_ =	swait.ge @!p0 [sflag:s8], $0x0  }
0x24: {  	s3 =	sadd.s32 $0x88, s3;
	s6 =	simm.s32 @!p1 $0x1082;
	[sflag:s4] =	ssyncset.s32 $0xFFFFF086  }
0x25: {  	[simem:s6], [sflag:s4] =	dma.local [hbm:s3], $0xF7A  }
0x26: {  	[smem:$0x3F98] =	sst s1;
	(tag) =	ssettag s2;
	_ =	strace s9  }
0x27: {  	s1 =	sld [smem:$0x3FA8]  }
0x28: {  	s2 =	sld [smem:$0x3FA9]  }
0x29: {  	s4 =	sld [smem:$0x3FAB]  }
0x2a: {  	p0 =	seq.s32 s5, $0x0;
	s5 =	sld [smem:$0x3FAC]  }
0x2b: {  	s6 =	sld [smem:$0x3FAD]  }
0x2c: {  	s7 =	sld [smem:$0x3FAE]  }
0x2d: {  	s3 =	simm.s32 $0x108;
	s8 =	sld [smem:$0x3FAF]  }
0x2e: {  	s3 =	simm.s32 @!p0 $0x1082;
	s9 =	sld [smem:$0x3FB0]  }
0x2f: {  	lr =	sadd.s32 s0, s3;
	s0 =	sld [smem:$0x3FA7]  }
0x30: {  	s3 =	sld [smem:$0x3FAA]  }
0x31: {  	[smem:$0x3FB3] =	sst s10  }
0x32: {  	s10 =	sld [smem:$0x3FB1];
	_ =	sdelay $0x3  }
0x33: {  	p0 =	seq.s32 s10, $0x1;
	s10 =	sld [smem:$0x3FB3];
	_ =	sdelay $0x3  }
0x34: {  	[smem:$0x3FB3] =	sst s10  }
0x35: {  	s10 =	sld [smem:$0x3FB2];
	_ =	sdelay $0x3  }
0x36: {  	p1 =	seq.s32 s10, $0x1;
	s10 =	sld [smem:$0x3FB3];
	_ =	sdelay $0x3  }
0x37: {  	[smem:$0x3FB3] =	sst s10  }
0x38: {  	s10 =	sld [smem:$0x3FB4]  }
0x39: {  	_ = 	snop;
	(pc) =	sbr.ind lr, $3  }
0x3a: {  	_ = 	snop  }
0x3b: {  	_ = 	snop  }
0x3c: {  	p2 =	seq.s32 s10, $0x1;
	s10 =	sld [smem:$0x3FB3]  }
0x3d: {  	_ =	shalt  }
0x3e: {  	_ =	shalt  }
0x3f: {  	_ =	shalt  }
0x40: {  	_ =	shalt  }
0x41: {  	_ =	shalt  }
0x42: {  	_ =	shalt  }
0x43: {  	_ =	shalt  }
0x44: {  	_ =	shalt  }
0x45: {  	_ =	shalt  }
0x46: {  	_ =	shalt  }
0x47: {  	_ =	shalt  }
0x48: {  	_ =	shalt  }
0x49: {  	_ =	shalt  }
0x4a: {  	_ =	shalt  }
0x4b: {  	_ =	shalt  }
0x4c: {  	_ =	shalt  }
0x4d: {  	_ =	shalt  }
0x4e: {  	_ =	shalt  }
0x4f: {  	_ =	shalt  }
0x50: {  	_ =	shalt  }
0x51: {  	_ =	shalt  }
0x52: {  	_ =	shalt  }
0x53: {  	_ =	shalt  }
0x54: {  	_ =	shalt  }
0x55: {  	_ =	shalt  }
0x56: {  	_ =	shalt  }
0x57: {  	_ =	shalt  }
0x58: {  	_ =	shalt  }
0x59: {  	_ =	shalt  }
0x5a: {  	_ =	shalt  }
0x5b: {  	_ =	shalt  }
0x5c: {  	_ =	shalt  }
0x5d: {  	_ =	shalt  }
0x5e: {  	_ =	shalt  }
0x5f: {  	_ =	shalt  }
0x60: {  	_ =	shalt  }
0x61: {  	_ =	shalt  }
0x62: {  	_ =	shalt  }
0x63: {  	_ =	shalt  }
0x64: {  	_ =	shalt  }
0x65: {  	_ =	shalt  }
0x66: {  	_ =	shalt  }
0x67: {  	_ =	shalt  }
0x68: {  	_ =	shalt  }
0x69: {  	_ =	shalt  }
0x6a: {  	_ =	shalt  }
0x6b: {  	_ =	shalt  }
0x6c: {  	_ =	shalt  }
0x6d: {  	_ =	shalt  }
0x6e: {  	_ =	shalt  }
0x6f: {  	_ =	shalt  }
0x70: {  	_ =	shalt  }
0x71: {  	_ =	shalt  }
0x72: {  	_ =	shalt  }
0x73: {  	_ =	shalt  }
0x74: {  	_ =	shalt  }
0x75: {  	_ =	shalt  }
0x76: {  	_ =	shalt  }
0x77: {  	_ =	shalt  }
0x78: {  	_ =	shalt  }
0x79: {  	_ =	shalt  }
0x7a: {  	_ =	shalt  }
0x7b: {  	_ =	shalt  }
0x7c: {  	_ =	shalt  }
0x7d: {  	_ =	shalt  }
0x7e: {  	_ =	shalt  }
0x7f: {  	_ =	shalt  }
0x80: {  	_ =	shalt  }
0x81: {  	_ =	shalt  }
0x82: {  	_ =	shalt  }
0x83: {  	_ =	shalt  }
0x84: {  	_ =	shalt  }
0x85: {  	_ =	shalt  }
0x86: {  	_ =	shalt  }
0x87: {  	_ =	shalt  }
.Lfunc_end0:
.L_simem_size_0:
called_computation_lowered:
.L_overlay_start_0:
0x88: {  	s2 =	sld [smem:$0x3FD9]  }
0x89: {  	s3 =	sld [smem:$0x3FFE];
	_ =	sdelay $0x1  }
0x8a: {  	s1 =	srdreg.scid  }
0x8b: {  	s0 =	sand.u32 $0x1, s1  }
0x8c: {  	s17 =	sshll.u32 s0, $0xA;
	s2 =	sadd.s32 s3, s2  }
0x8d: {  	s2 =	sadd.s32 s2, s17  }
0x8e: {  	[smem:$0x3FBF] =	sst s2  }
0x8f: {  	_ = 	snop  }
0x90: {  	s2 =	sld [smem:$0x3FD0];
	(tm) =	ssettm $0x1  }
0x91: {  	s18 =	sld [smem:$0x3FFB];
	_ =	sdelay $0x3  }
0x92: {  	_ =	strace s18  }
0x93: {  	s3 =	sld [smem:$0x3FFC];
	_ =	sdelay $0x3  }
0x94: {  	_ =	strace s3  }
0x95: {  	s3 =	sld [smem:$0x3FFD];
	_ =	sdelay $0x3  }
0x96: {  	_ =	strace s3  }
0x97: {  	_ =	strace $0x8FFFFFFF  }
0x98: {  	s19 =	sld [smem:$0x3FDB];
	_ =	sdelay $0x1  }
0x99: {  	s4 =	simm.s32 $_scs_section_size  }
0x9a: {  	s5 =	simm.s32 $_size__tile_overlayer_lowered;
	s6 =	simm.s32 $_tile_overlayer_lowered  }
0x9b: {  	s22 =	simm.s32 $0x1BFF;
	s21 =	sshll.u32 s6, $0x1;
	s3 =	sadd.s32 s4, s19  }
0x9c: {  	s7 =	simm.s32 $0x0;
	s20 =	sshll.u32 s5, $0x1;
	s5 =	sadd.s32 s21, s3  }
0x9d: {  	[timem:s7], [sflag:s22] =	dma.local [hbm:s5], s20  }
0x9e: {  	_ =	swait.ge [sflag:s22], s20  }
0x9f: {  	s4 =	ssub.s32 $0x0, s20;
	[sflag:s22] =	ssyncset.done $0x0  }
0xa0: {  	[sflag:s22] =	ssyncadd.s32 s4;
	_ =	sdelay $0x1  }
0xa1: {  	s23 =	simm.s32 $0x1B8B  }
0xa2: {  	_ =	swait.ge [sflag:s23], $0x1  }
0xa3: {  	[sflag:s23] =	ssyncset.done $0x0  }
0xa4: {  	s25 =	simm.s32 $0x1B8E;
	s24 =	sld [smem:$0x3FFE];
	[sflag:s23] =	ssyncadd.s32 $0xFFFFFFFF  }
0xa5: {  	s26 =	simm.s32 $execute0_lowered;
	[smem:$0x3FD2] =	sst s25  }
0xa6: {  	s5 =	sshll.u32 s26, $0x1;
	_ =	strace $0x80000046;
	[dreg:$0x1] =	wrdreg $0xFFFFFFFF  }
0xa7: {  	s28 =	simm.s32 $_size_execute0_lowered;
	s3 =	sadd.s32 s3, s5;
	[dreg:$0x0] =	wrdreg $0x0  }
0xa8: {  	s5 =	sshll.u32 s28, $0x1;
	[dreg:$0x2] =	wrdreg s3  }
0xa9: {  	[dreg:$0x3] =	wrdreg s5  }
0xaa: {  	[dreg:$0x4] =	wrdreg $0xC0  }
0xab: {  	_ =	task [dreg:s7], $0x5FFFF  }
0xac: {  	[dreg:$0x1] =	wrdreg $0xFFFFFFFF  }
0xad: {  	[dreg:$0x0] =	wrdreg $0x60  }
0xae: {  	[dreg:$0x2] =	wrdreg s24  }
0xaf: {  	[dreg:$0x3] =	wrdreg s2  }
0xb0: {  	[dreg:$0x4] =	wrdreg $0x9  }
0xb1: {  	_ =	task.clear_ibuf [dreg:s7], $0x5FFFF;
	_ =	strace $0x90000046  }
0xb2: {  	s29 =	simm.s32 $0x9;
	_ =	strace $0x80000048  }
0xb3: {  	_ =	swait.ge [sflag:s29], $0x1  }
0xb4: {  	[sflag:s29] =	ssyncadd.s32 $0xFFFFFFFF  }
0xb5: {  	_ =	strace $0x90000048  }
0xb6: {  	_ =	sfence  }
0xb7: {  	s30 =	sld [smem:$0x0];
	_ =	sdelay $0x2  }
0xb8: {  	s31 =	sshll.u32 s1, $0xD;
	s1 =	sshrl.u32 s1, $0x2  }
0xb9: {  	s3 =	sand.u32 $0x4000, s31;
	s1 =	sadd.s32 s1, s30  }
0xba: {  	s0 =	sor.u32 s3, s0;
	s1 =	sshll.u32 s1, $0x11  }
0xbb: {  	s0 =	sor.u32 s1, s0  }
0xbc: {  	s0 =	sadd.s32 $0x8F2B, s0  }
0xbd: {  	[sflag:s0] =	ssyncadd.remote.s32 $0x1  }
0xbe: {  	_ =	sfence.sel $0xFFFF  }
0xbf: {  	[dreg:$0x0] =	wrdreg $0xFFFFFFFF;
	(pc) =	sbr.abs _section_cstart, $3  }
0xc0: {  	[dreg:$0x1] =	wrdreg $0xFFFFFFFF  }
0xc1: {  	_ =	task.clear_ibuf [dreg:s7], $0x2FFFF;
	_ =	strace $0x9FFFFFFF  }
0xc2: {  	(tm) =	ssettm $0x7FFFFFFF  }
0xc3: {  	_ =	shalt  }
tec
execute0_lowered:
.L_overlay_start_1:
0x0: {  	(tag) =	ssettag $0x1  }
0x1: {  	s1 =	srdreg.scid  }
0x2: {  	s8 =	rddreg [dreg:$0x0];
	s0 =	stileid.u32  }
0x3: {  	s3 =	rddreg [dreg:$0x1];
	s2 =	simm.s32 $0x0;
	s6 =	sand.u32 $0x1, s1  }
0x4: {  	s4 =	sshll.u32 s0, $0xA;
	s1 =	rddreg [dreg:$0x2];
	s5 =	sshll.u32 s6, $0x9  }
0x5: {  	s7 =	simm.s32 $0x1;
	[smem:$0x7FF] =	sst s2;
	s9 =	sor.u32 s5, s4  }
0x6: {  	_ =	strace $0x80000047;
	s10 =	ssub.s32 $0x2, s6;
	s4 =	sshrl.u32 s9, $0x3  }
0x7: {  	s6 =	simm.s32 $0x200;
	s4 =	sadd.s32 s3, s4;
	s3 =	simm.s32 $0x2  }
0x8: {  	[tilespmem:s2], [sflag:$0x2] =	stream.linear.gather [hbm4b:s4+s2], $0x200, $0x38;
	[tilespmem:$0x10200] =	vst v63  }
0x9: {  	s5 =	sadd.s32 $0x1C00, s8;
	s11 =	sshrl.u32 s10, $0x1;
	_ =	swait.ge [sflag:s3], $0x200  }
0xa: {  	s9 =	sshll.u32 s9, $0x4;
	s31 =	ssub.s32 s10, s11;
	[sflag:s3] =	ssyncset.done $0x0  }
0xb: {  	s8 =	sadd.s32 s9, s8;
	s9 =	smax.u32 s31, $0x1;
	[sflag:s3] =	ssyncadd.s32 $0xFFFFFE00  }
0xc: {  	[tilespmem:s6], [sflag:$0x1] =	stream.indirect.gather [hbm4b:s5+s6], $0x80, s2, s6, $0xb8;
	[tilespmem:$0x10200] =	vst v63  }
0xd: {  	p0 =	sne.s32 s9, $0x1;
	_ =	swait.ge [sflag:s7], $0x10000  }
.Ltmp0:
0xe: {  	[sflag:s7] =	ssyncset.done $0x0;
	(pc) =	sbr.rel @!p0 .LBB2_2-.Ltmp0, $4  }
0xf: {  	s8 =	sadd.s32 $0x201C00, s8;
	[sflag:s7] =	ssyncadd.s32 $0xFFFF0000  }
0x10: {  	[hbm4b:s8+s2] =	stream.linear.scatter [tilespmem:s6], [sflag:$0x2], $0x10000, $0x38;
	[tilespmem:$0x10200] =	vst v63  }
0x11: {  	_ =	swait.ge [sflag:s3], $0x10000  }
0x12: {  	s9 =	sadd.s32 $0xFFFFFFFF, s9;
	[sflag:s3] =	ssyncset.done $0x0  }
.LBB2_1:
0x13: {  	p0 =	sne.s32 s9, $0x1;
	s9 =	sadd.s32 $0xFFFFFFFF, s9;
	[sflag:s3] =	ssyncadd.s32 $0xFFFF0000  }
0x14: {  	[tilespmem:s2], [sflag:$0x2] =	stream.linear.gather [hbm4b:s4+s2], $0x200, $0x38;
	[tilespmem:$0x10200] =	vst v63  }
0x15: {  	_ =	swait.ge [sflag:s3], $0x200  }
0x16: {  	[sflag:s3] =	ssyncset.done $0x0  }
0x17: {  	[sflag:s3] =	ssyncadd.s32 $0xFFFFFE00  }
0x18: {  	[tilespmem:s6], [sflag:$0x1] =	stream.indirect.gather [hbm4b:s5+s6], $0x80, s2, s6, $0xb8;
	[tilespmem:$0x10200] =	vst v63  }
0x19: {  	_ =	swait.ge [sflag:s7], $0x10000  }
.Ltmp1:
0x1a: {  	[sflag:s7] =	ssyncset.done $0x0;
	(pc) =	sbr.rel @p0 .LBB2_1-.Ltmp1, $4  }
0x1b: {  	[sflag:s7] =	ssyncadd.s32 $0xFFFF0000  }
0x1c: {  	[hbm4b:s8+s2] =	stream.linear.scatter [tilespmem:s6], [sflag:$0x2], $0x10000, $0x38;
	[tilespmem:$0x10200] =	vst v63  }
0x1d: {  	_ =	swait.ge [sflag:s3], $0x10000  }
0x1e: {  	[sflag:s3] =	ssyncset.done $0x0  }
.LBB2_2:
0x1f: {  	[sflag:s3] =	ssyncadd.s32 $0xFFFF0000  }
0x20: {  	_ =	sfence.sel $0x180000  }
0x21: {  	[bflag:$0x0] =	sbarrier.arrive $0xFFFF  }
0x22: {  	p0 =	sne.s32 s0, $0x0;
	_ =	strace $0x90000047  }
0x23: {  	s0 =	sadd.s32 @!p0 $0x100000, s1;
	[bflag:$0x2] =	sbarrier.arrive $0xFFFF  }
0x24: {  	[sflag:s0] =	ssyncadd.tile.s32 @!p0 $0x1;
	_ =	shalt  }
.Lfunc_end2:
_tile_overlayer_lowered:
.L_overlay_start_2:
0x25: {  	(tag) =	ssettag $0x2  }
0x26: {  	s0 =	rddreg [dreg:$0x0];
	s2 =	stileid.u32  }
0x27: {  	s1 =	rddreg [dreg:$0x1];
	p0 =	sne.s32 s2, $0x0  }
0x28: {  	s3 =	rddreg [dreg:$0x2];
	[bflag:$0x3] =	sbarrier.arrive $0xFFFF;
	s2 =	simm.s32 @!p0 $0x1C02  }
0x29: {  	[timem:s3], [sflag:s2] =	dma.local @!p0 [hbm:s0], s1  }
0x2a: {  	s0 =	simm.s32 @!p0 $0x2  }
0x2b: {  	_ =	swait.ge @!p0 [sflag:s0], s1  }
0x2c: {  	s1 =	ssub.s32 @!p0 $0x0, s1;
	[sflag:s0] =	ssyncset.done @!p0 $0x0  }
0x2d: {  	[sflag:s0] =	ssyncadd.s32 @!p0 s1  }
0x2e: {  	[bflag:$0x3] =	sbarrier.arrive $0xFFFF  }
0x2f: {  	_ =	shalt  }

</sc_bundles>
